<compile_context>
chip_gen: v7x
topology: tpu7x:2x2x1
jax: 0.10.2.dev20260603
libtpu: 0.0.44.dev20260713+nightly
codegen_flags: <defaults>
</compile_context>

<pallas_src>
import functools

import jax
import jax.numpy as jnp
from jax import lax
from jax.experimental import pallas as pl
from jax.experimental.pallas import tpu as pltpu
from jax.experimental.pallas import tpu_sc as plsc

_NUM_LODS = 4
_COARSE = [128, 64, 32, 16]
_S = 128


def _lod_table(near, far):
    near = jnp.asarray(near).astype(jnp.float32)
    far = jnp.asarray(far).astype(jnp.float32)
    rows = []
    for lod in range(_NUM_LODS):
        ns = _COARSE[lod]
        t = jnp.linspace(0.0, 1.0, ns)
        t = 1.0 / (1.0 / near * (1.0 - t) + 1.0 / far * t)
        mids = 0.5 * (t[:-1] + t[1:])
        upper = jnp.concatenate([mids, t[-1:]])
        lower = jnp.concatenate([t[:1], mids])
        t_rand = jax.random.uniform(jax.random.fold_in(jax.random.key(1), lod), (ns,))
        row = lower + (upper - lower) * t_rand
        if ns < _S:
            row = jnp.concatenate([row, jnp.full((_S - ns,), far, jnp.float32)])
        rows.append(row)
    return jnp.stack(rows)


@functools.lru_cache(maxsize=None)
def _make_sc_gather(N, D, CB, NBUF):
    info = plsc.get_sparse_core_info()
    NC, NS = info.num_cores, info.num_subcores
    NW = NC * NS
    NIDX = 2 * NBUF
    assert N % (NW * CB * NIDX) == 0
    b_per_w = N // NW
    n_chunks = b_per_w // CB
    n_groups = n_chunks // NIDX
    mesh = plsc.VectorSubcoreMesh(core_axis_name="c", subcore_axis_name="s")

    @functools.partial(
        pl.kernel,
        mesh=mesh,
        out_type=jax.ShapeDtypeStruct((N, D), jnp.float32),
        scratch_types=[
            pltpu.VMEM_SHARED((_NUM_LODS, D), jnp.float32),
            [pltpu.VMEM((CB,), jnp.int32) for _ in range(NIDX)],
            [pltpu.VMEM((CB, D), jnp.float32) for _ in range(NBUF)],
            [pltpu.SemaphoreType.DMA for _ in range(NIDX)],
            [pltpu.SemaphoreType.DMA for _ in range(NBUF)],
            [pltpu.SemaphoreType.DMA for _ in range(NBUF)],
        ],
    )
    def k(table_hbm, idx_hbm, out_hbm, table_sh, idx_v, rows_v, sem_i, sem_g, sem_o):
        wid = lax.axis_index("s") * NC + lax.axis_index("c")
        base = wid * b_per_w

        @pl.when(lax.axis_index("s") == 0)
        def _():
            pltpu.sync_copy(table_hbm, table_sh)

        plsc.subcore_barrier()

        for b in range(NBUF):
            pltpu.async_copy(idx_hbm.at[pl.ds(base + b * CB, CB)], idx_v[b], sem_i[b])

        def body(g, carry):
            for kk in range(NIDX):
                c = g * NIDX + kk
                off = base + c * CB
                b = kk % NBUF
                j = kk
                j2 = (kk + NBUF) % NIDX
                b1 = (kk - 1) % NBUF

                def writeback_prev(off=off, b1=b1):
                    pltpu.make_async_copy(
                        table_sh.at[idx_v[0]], rows_v[b1], sem_g[b1]
                    ).wait()
                    pltpu.async_copy(
                        rows_v[b1], out_hbm.at[pl.ds(off - CB, CB)], sem_o[b1]
                    )

                if kk >= 1:
                    writeback_prev()
                else:
                    pl.when(g > 0)(writeback_prev)

                pltpu.make_async_copy(
                    idx_hbm.at[pl.ds(off, CB)], idx_v[j], sem_i[j]
                ).wait()

                def wait_rows(off=off, b=b):
                    pltpu.make_async_copy(
                        rows_v[b], out_hbm.at[pl.ds(off, CB)], sem_o[b]
                    ).wait()

                if kk >= NBUF:
                    wait_rows()
                else:
                    pl.when(g > 0)(wait_rows)

                pltpu.async_copy(table_sh.at[idx_v[j]], rows_v[b], sem_g[b])

                def prefetch(off=off, j2=j2):
                    pltpu.async_copy(
                        idx_hbm.at[pl.ds(off + NBUF * CB, CB)], idx_v[j2], sem_i[j2]
                    )

                if kk < NBUF:
                    prefetch()
                else:
                    pl.when(g < n_groups - 1)(prefetch)
            return carry

        lax.fori_loop(0, n_groups, body, 0)

        last = base + (n_chunks - 1) * CB
        bl = (n_chunks - 1) % NBUF
        pltpu.make_async_copy(table_sh.at[idx_v[0]], rows_v[bl], sem_g[bl]).wait()
        pltpu.async_copy(rows_v[bl], out_hbm.at[pl.ds(last, CB)], sem_o[bl])
        for b in range(NBUF):
            pltpu.make_async_copy(
                rows_v[b], out_hbm.at[pl.ds(base, CB)], sem_o[b]
            ).wait()

    return k


def kernel(rays_o, rays_d, near, far, lod_levels):
    del rays_o, rays_d
    table = _lod_table(near, far)
    N = lod_levels.shape[0]
    k = _make_sc_gather(N, _S, 256, 2)
    return k(table, lod_levels.astype(jnp.int32))

# --- scband reference (transcript-rebuilt; emitter-appended) ---
"""Pipeline reference for scband-multi-resolution-renderer-11587821765204 (READ-ONLY COPY).

The authoritative reference and input builder live on the scoring server;
editing this copy changes nothing except your own understanding.
"""

import jax, jax.numpy as jnp
import numpy as np

NUM_LODS = 4
COARSE = [128, 64, 32, 16]


def _sample_along_rays(key, n_rays, near, far, num_samples):
    t_vals = jnp.linspace(0.0, 1.0, num_samples)
    t_vals = 1.0 / (1.0 / near * (1.0 - t_vals) + 1.0 / far * t_vals)
    mids = 0.5 * (t_vals[:-1] + t_vals[1:])
    upper = jnp.concatenate([mids, t_vals[-1:]])
    lower = jnp.concatenate([t_vals[:1], mids])
    t_rand = jax.random.uniform(key, (num_samples,))
    t_vals = lower + (upper - lower) * t_rand
    return jnp.broadcast_to(t_vals, (n_rays, num_samples))


def setup_inputs(seed: int = 0):
    key = jax.random.key(seed)
    k1, k2, k3 = jax.random.split(key, 3)
    N = 262144
    rays_o = jax.random.normal(k1, (N, 3), dtype=jnp.float32)
    rays_d = jax.random.normal(k2, (N, 3), dtype=jnp.float32)
    lod_levels = jax.random.randint(k3, (N,), 0, NUM_LODS, dtype=jnp.int32)
    return {"rays_o": rays_o, "rays_d": rays_d, "near": 2, "far": 6, "lod_levels": lod_levels}


def reference(rays_o, rays_d, near, far, lod_levels):
    near = jnp.asarray(near).astype(jnp.float32)
    far = jnp.asarray(far).astype(jnp.float32)
    N = rays_o.shape[0]
    S = COARSE[0]
    all_t_vals = jnp.zeros((N, S), dtype=rays_o.dtype)
    for lod in range(NUM_LODS):
        mask = lod_levels == lod
        group_rays_o = jnp.where(mask[:, None], rays_o, 0.0)
        group_rays_d = jnp.where(mask[:, None], rays_d, 0.0)
        ns = COARSE[lod]
        t_vals = _sample_along_rays(jax.random.fold_in(jax.random.key(1), lod), group_rays_o.shape[0], near, far, ns)
        if ns < S:
            pad = jnp.full((t_vals.shape[0], S - ns), far, dtype=t_vals.dtype)
            t_vals = jnp.concatenate([t_vals, pad], axis=-1)
        t_vals = t_vals + 0.0 * group_rays_d[:, :1]
        all_t_vals = jnp.where(mask[:, None], t_vals[:, :S], all_t_vals)
    return all_t_vals

if __name__ == "__main__":
    import jax
    _d = setup_inputs()
    print(jax.jit(kernel)(*tuple(_d.values())))

</pallas_src>

<mosaic_0001>
#map = affine_map<(d0, d1) -> (0, 0)>
#map1 = affine_map<(d0, d1) -> (0)>
module attributes {stable_mosaic.version = 14 : i64} {
  func.func @k(%arg0: i32, %arg1: i32, %arg2: memref<4x128xf32, #tpu.memory_space<hbm>>, %arg3: memref<262144xi32, #tpu.memory_space<hbm>>, %arg4: memref<262144x128xf32, #tpu.memory_space<hbm>>, %arg5: memref<4x128xf32, #tpu.memory_space<vmem_shared>>, %arg6: memref<256xi32, #tpu.memory_space<vmem>>, %arg7: memref<256xi32, #tpu.memory_space<vmem>>, %arg8: memref<256xi32, #tpu.memory_space<vmem>>, %arg9: memref<256xi32, #tpu.memory_space<vmem>>, %arg10: memref<256x128xf32, #tpu.memory_space<vmem>>, %arg11: memref<256x128xf32, #tpu.memory_space<vmem>>, %arg12: memref<!tpu.dma_semaphore, #tpu.memory_space<semaphore_mem>>, %arg13: memref<!tpu.dma_semaphore, #tpu.memory_space<semaphore_mem>>, %arg14: memref<!tpu.dma_semaphore, #tpu.memory_space<semaphore_mem>>, %arg15: memref<!tpu.dma_semaphore, #tpu.memory_space<semaphore_mem>>, %arg16: memref<!tpu.dma_semaphore, #tpu.memory_space<semaphore_mem>>, %arg17: memref<!tpu.dma_semaphore, #tpu.memory_space<semaphore_mem>>, %arg18: memref<!tpu.dma_semaphore, #tpu.memory_space<semaphore_mem>>, %arg19: memref<!tpu.dma_semaphore, #tpu.memory_space<semaphore_mem>>) attributes {dimension_semantics = [#tpu.dimension_semantics<core_parallel>, #tpu.dimension_semantics<subcore_parallel>], iteration_bounds = array<i64: 2, 16>, scalar_prefetch = 0 : i64, scratch_operands = 15 : i64, tpu.core_type = #tpu.core_type<sc_vector_subcore>, window_params = [{transform_indices = #map}, {transform_indices = #map1}, {transform_indices = #map}]} {
    %mul3A = arith.constant 2 : i32
    %mul3A_0 = arith.muli %arg1, %mul3A : i32
    %add3A = arith.addi %mul3A_0, %arg0 : i32
    %mul3A_1 = arith.constant 8192 : i32
    %mul3A_2 = arith.muli %add3A, %mul3A_1 : i32
    %eq3A = arith.constant 0 : i32
    %eq3A_3 = arith.cmpi eq, %arg1, %eq3A : i32
    %convert_element_type3A = arith.extui %eq3A_3 : i1 to i32
    %cond3A = arith.constant 0 : i32
    %cond3A_4 = arith.cmpi ne, %convert_element_type3A, %cond3A : i32
    scf.if %cond3A_4 {
      "tpu.region"() ({
        %run_scoped3A = tpu.sem_alloc : memref<!tpu.dma_semaphore, #tpu.memory_space<semaphore_mem>>
        tpu.enqueue_dma source(%arg2 : memref<4x128xf32, #tpu.memory_space<hbm>>) target(%arg5 : memref<4x128xf32, #tpu.memory_space<vmem_shared>>) target_semaphore(%run_scoped3A : memref<!tpu.dma_semaphore, #tpu.memory_space<semaphore_mem>>)
        tpu.wait_dma2 semaphore(%run_scoped3A : memref<!tpu.dma_semaphore, #tpu.memory_space<semaphore_mem>>) src(%arg2 : memref<4x128xf32, #tpu.memory_space<hbm>>) dst(%arg5 : memref<4x128xf32, #tpu.memory_space<vmem_shared>>)
        tpu.yield
      }) : () -> ()
    } else {
    }
    %barrier3A = arith.constant 0 : index
    tpu.barrier barrier_id(%barrier3A)
    %add3A_5 = arith.constant 0 : i32
    %add3A_6 = arith.addi %mul3A_2, %add3A_5 : i32
    %dma_start3A = tpu.memref_slice %arg3[%add3A_6] : memref<262144xi32, #tpu.memory_space<hbm>> -> memref<256xi32, #tpu.memory_space<hbm>>
    %dma_start3A_7 = tpu.memref_slice %arg3[%add3A_6] : memref<262144xi32, #tpu.memory_space<hbm>> -> memref<256xi32, #tpu.memory_space<hbm>>
    tpu.enqueue_dma source(%dma_start3A_7 : memref<256xi32, #tpu.memory_space<hbm>>) target(%arg6 : memref<256xi32, #tpu.memory_space<vmem>>) target_semaphore(%arg12 : memref<!tpu.dma_semaphore, #tpu.memory_space<semaphore_mem>>)
    %add3A_8 = arith.constant 256 : i32
    %add3A_9 = arith.addi %mul3A_2, %add3A_8 : i32
    %dma_start3A_10 = tpu.memref_slice %arg3[%add3A_9] : memref<262144xi32, #tpu.memory_space<hbm>> -> memref<256xi32, #tpu.memory_space<hbm>>
    %dma_start3A_11 = tpu.memref_slice %arg3[%add3A_9] : memref<262144xi32, #tpu.memory_space<hbm>> -> memref<256xi32, #tpu.memory_space<hbm>>
    tpu.enqueue_dma source(%dma_start3A_11 : memref<256xi32, #tpu.memory_space<hbm>>) target(%arg7 : memref<256xi32, #tpu.memory_space<vmem>>) target_semaphore(%arg13 : memref<!tpu.dma_semaphore, #tpu.memory_space<semaphore_mem>>)
    %scan3A = arith.constant 0 : i32
    %scan3A_12 = arith.constant 0 : i32
    %scan3A_13 = arith.constant 8 : i32
    %scan3A_14 = arith.addi %scan3A_12, %scan3A_13 : i32
    %scan3A_15 = arith.constant 1 : i32
    scf.for %scan3A_33 = %scan3A_12 to %scan3A_14 step %scan3A_15  : i32 {
      %mul3A_34 = arith.constant 4 : i32
      %mul3A_35 = arith.muli %scan3A_33, %mul3A_34 : i32
      %add3A_36 = arith.constant 0 : i32
      %add3A_37 = arith.addi %mul3A_35, %add3A_36 : i32
      %mul3A_38 = arith.constant 256 : i32
      %mul3A_39 = arith.muli %add3A_37, %mul3A_38 : i32
      %add3A_40 = arith.addi %mul3A_2, %mul3A_39 : i32
      %gt3A = arith.constant 0 : i32
      %gt3A_41 = arith.cmpi sgt, %scan3A_33, %gt3A : i32
      %convert_element_type3A_42 = arith.extui %gt3A_41 : i1 to i32
      %cond3A_43 = arith.constant 0 : i32
      %cond3A_44 = arith.cmpi ne, %convert_element_type3A_42, %cond3A_43 : i32
      scf.if %cond3A_44 {
        %dma_wait3A_147 = arith.constant 0 : i32
        %dma_wait3A_148 = arith.constant 0 : i32
        %dma_wait3A_149 = tpu.memref_slice %arg5[%dma_wait3A_147, %dma_wait3A_148] : memref<4x128xf32, #tpu.memory_space<vmem_shared>> -> memref<4x128xf32, #tpu.memory_space<vmem_shared>>
        tpu.wait_indirect_dma semaphore(%arg17 : memref<!tpu.dma_semaphore, #tpu.memory_space<semaphore_mem>>) src(%dma_wait3A_149 : memref<4x128xf32, #tpu.memory_space<vmem_shared>>) dst(%arg11 : memref<256x128xf32, #tpu.memory_space<vmem>>)
        %sub3A_150 = arith.constant 256 : i32
        %sub3A_151 = arith.subi %add3A_40, %sub3A_150 : i32
        %dma_start3A_152 = arith.constant 0 : i32
        %dma_start3A_153 = tpu.memref_slice %arg4[%sub3A_151, %dma_start3A_152] : memref<262144x128xf32, #tpu.memory_space<hbm>> -> memref<256x128xf32, #tpu.memory_space<hbm>>
        %dma_start3A_154 = arith.constant 0 : i32
        %dma_start3A_155 = tpu.memref_slice %arg4[%sub3A_151, %dma_start3A_154] : memref<262144x128xf32, #tpu.memory_space<hbm>> -> memref<256x128xf32, #tpu.memory_space<hbm>>
        tpu.enqueue_dma source(%arg11 : memref<256x128xf32, #tpu.memory_space<vmem>>) target(%dma_start3A_155 : memref<256x128xf32, #tpu.memory_space<hbm>>) target_semaphore(%arg19 : memref<!tpu.dma_semaphore, #tpu.memory_space<semaphore_mem>>)
      } else {
      }
      %dma_wait3A_45 = tpu.memref_slice %arg3[%add3A_40] : memref<262144xi32, #tpu.memory_space<hbm>> -> memref<256xi32, #tpu.memory_space<hbm>>
      %dma_wait3A_46 = tpu.memref_slice %arg3[%add3A_40] : memref<262144xi32, #tpu.memory_space<hbm>> -> memref<256xi32, #tpu.memory_space<hbm>>
      tpu.wait_dma2 semaphore(%arg12 : memref<!tpu.dma_semaphore, #tpu.memory_space<semaphore_mem>>) src(%dma_wait3A_46 : memref<256xi32, #tpu.memory_space<hbm>>) dst(%arg6 : memref<256xi32, #tpu.memory_space<vmem>>)
      %gt3A_47 = arith.constant 0 : i32
      %gt3A_48 = arith.cmpi sgt, %scan3A_33, %gt3A_47 : i32
      %convert_element_type3A_49 = arith.extui %gt3A_48 : i1 to i32
      %cond3A_50 = arith.constant 0 : i32
      %cond3A_51 = arith.cmpi ne, %convert_element_type3A_49, %cond3A_50 : i32
      scf.if %cond3A_51 {
        %dma_wait3A_147 = arith.constant 0 : i32
        %dma_wait3A_148 = tpu.memref_slice %arg4[%add3A_40, %dma_wait3A_147] : memref<262144x128xf32, #tpu.memory_space<hbm>> -> memref<256x128xf32, #tpu.memory_space<hbm>>
        %dma_wait3A_149 = arith.constant 0 : i32
        %dma_wait3A_150 = tpu.memref_slice %arg4[%add3A_40, %dma_wait3A_149] : memref<262144x128xf32, #tpu.memory_space<hbm>> -> memref<256x128xf32, #tpu.memory_space<hbm>>
        tpu.wait_dma2 semaphore(%arg18 : memref<!tpu.dma_semaphore, #tpu.memory_space<semaphore_mem>>) src(%arg10 : memref<256x128xf32, #tpu.memory_space<vmem>>) dst(%dma_wait3A_150 : memref<256x128xf32, #tpu.memory_space<hbm>>)
      } else {
      }
      %dma_start3A_52 = arith.constant 0 : i32
      %dma_start3A_53 = arith.constant 0 : i32
      %dma_start3A_54 = tpu.memref_slice %arg5[%dma_start3A_52, %dma_start3A_53] : memref<4x128xf32, #tpu.memory_space<vmem_shared>> -> memref<4x128xf32, #tpu.memory_space<vmem_shared>>
      tpu.enqueue_indirect_dma source(%dma_start3A_54 : memref<4x128xf32, #tpu.memory_space<vmem_shared>>) target(%arg10 : memref<256x128xf32, #tpu.memory_space<vmem>>) offsets(%arg6 : memref<256xi32, #tpu.memory_space<vmem>>) semaphore(%arg16 : memref<!tpu.dma_semaphore, #tpu.memory_space<semaphore_mem>>)
      %add3A_55 = arith.constant 512 : i32
      %add3A_56 = arith.addi %add3A_40, %add3A_55 : i32
      %dma_start3A_57 = tpu.memref_slice %arg3[%add3A_56] : memref<262144xi32, #tpu.memory_space<hbm>> -> memref<256xi32, #tpu.memory_space<hbm>>
      %dma_start3A_58 = tpu.memref_slice %arg3[%add3A_56] : memref<262144xi32, #tpu.memory_space<hbm>> -> memref<256xi32, #tpu.memory_space<hbm>>
      tpu.enqueue_dma source(%dma_start3A_58 : memref<256xi32, #tpu.memory_space<hbm>>) target(%arg8 : memref<256xi32, #tpu.memory_space<vmem>>) target_semaphore(%arg14 : memref<!tpu.dma_semaphore, #tpu.memory_space<semaphore_mem>>)
      %mul3A_59 = arith.constant 4 : i32
      %mul3A_60 = arith.muli %scan3A_33, %mul3A_59 : i32
      %add3A_61 = arith.constant 1 : i32
      %add3A_62 = arith.addi %mul3A_60, %add3A_61 : i32
      %mul3A_63 = arith.constant 256 : i32
      %mul3A_64 = arith.muli %add3A_62, %mul3A_63 : i32
      %add3A_65 = arith.addi %mul3A_2, %mul3A_64 : i32
      %dma_wait3A_66 = arith.constant 0 : i32
      %dma_wait3A_67 = arith.constant 0 : i32
      %dma_wait3A_68 = tpu.memref_slice %arg5[%dma_wait3A_66, %dma_wait3A_67] : memref<4x128xf32, #tpu.memory_space<vmem_shared>> -> memref<4x128xf32, #tpu.memory_space<vmem_shared>>
      tpu.wait_indirect_dma semaphore(%arg16 : memref<!tpu.dma_semaphore, #tpu.memory_space<semaphore_mem>>) src(%dma_wait3A_68 : memref<4x128xf32, #tpu.memory_space<vmem_shared>>) dst(%arg10 : memref<256x128xf32, #tpu.memory_space<vmem>>)
      %sub3A = arith.constant 256 : i32
      %sub3A_69 = arith.subi %add3A_65, %sub3A : i32
      %dma_start3A_70 = arith.constant 0 : i32
      %dma_start3A_71 = tpu.memref_slice %arg4[%sub3A_69, %dma_start3A_70] : memref<262144x128xf32, #tpu.memory_space<hbm>> -> memref<256x128xf32, #tpu.memory_space<hbm>>
      %dma_start3A_72 = arith.constant 0 : i32
      %dma_start3A_73 = tpu.memref_slice %arg4[%sub3A_69, %dma_start3A_72] : memref<262144x128xf32, #tpu.memory_space<hbm>> -> memref<256x128xf32, #tpu.memory_space<hbm>>
      tpu.enqueue_dma source(%arg10 : memref<256x128xf32, #tpu.memory_space<vmem>>) target(%dma_start3A_73 : memref<256x128xf32, #tpu.memory_space<hbm>>) target_semaphore(%arg18 : memref<!tpu.dma_semaphore, #tpu.memory_space<semaphore_mem>>)
      %dma_wait3A_74 = tpu.memref_slice %arg3[%add3A_65] : memref<262144xi32, #tpu.memory_space<hbm>> -> memref<256xi32, #tpu.memory_space<hbm>>
      %dma_wait3A_75 = tpu.memref_slice %arg3[%add3A_65] : memref<262144xi32, #tpu.memory_space<hbm>> -> memref<256xi32, #tpu.memory_space<hbm>>
      tpu.wait_dma2 semaphore(%arg13 : memref<!tpu.dma_semaphore, #tpu.memory_space<semaphore_mem>>) src(%dma_wait3A_75 : memref<256xi32, #tpu.memory_space<hbm>>) dst(%arg7 : memref<256xi32, #tpu.memory_space<vmem>>)
      %gt3A_76 = arith.constant 0 : i32
      %gt3A_77 = arith.cmpi sgt, %scan3A_33, %gt3A_76 : i32
      %convert_element_type3A_78 = arith.extui %gt3A_77 : i1 to i32
      %cond3A_79 = arith.constant 0 : i32
      %cond3A_80 = arith.cmpi ne, %convert_element_type3A_78, %cond3A_79 : i32
      scf.if %cond3A_80 {
        %dma_wait3A_147 = arith.constant 0 : i32
        %dma_wait3A_148 = tpu.memref_slice %arg4[%add3A_65, %dma_wait3A_147] : memref<262144x128xf32, #tpu.memory_space<hbm>> -> memref<256x128xf32, #tpu.memory_space<hbm>>
        %dma_wait3A_149 = arith.constant 0 : i32
        %dma_wait3A_150 = tpu.memref_slice %arg4[%add3A_65, %dma_wait3A_149] : memref<262144x128xf32, #tpu.memory_space<hbm>> -> memref<256x128xf32, #tpu.memory_space<hbm>>
        tpu.wait_dma2 semaphore(%arg19 : memref<!tpu.dma_semaphore, #tpu.memory_space<semaphore_mem>>) src(%arg11 : memref<256x128xf32, #tpu.memory_space<vmem>>) dst(%dma_wait3A_150 : memref<256x128xf32, #tpu.memory_space<hbm>>)
      } else {
      }
      %dma_start3A_81 = arith.constant 0 : i32
      %dma_start3A_82 = arith.constant 0 : i32
      %dma_start3A_83 = tpu.memref_slice %arg5[%dma_start3A_81, %dma_start3A_82] : memref<4x128xf32, #tpu.memory_space<vmem_shared>> -> memref<4x128xf32, #tpu.memory_space<vmem_shared>>
      tpu.enqueue_indirect_dma source(%dma_start3A_83 : memref<4x128xf32, #tpu.memory_space<vmem_shared>>) target(%arg11 : memref<256x128xf32, #tpu.memory_space<vmem>>) offsets(%arg7 : memref<256xi32, #tpu.memory_space<vmem>>) semaphore(%arg17 : memref<!tpu.dma_semaphore, #tpu.memory_space<semaphore_mem>>)
      %add3A_84 = arith.constant 512 : i32
      %add3A_85 = arith.addi %add3A_65, %add3A_84 : i32
      %dma_start3A_86 = tpu.memref_slice %arg3[%add3A_85] : memref<262144xi32, #tpu.memory_space<hbm>> -> memref<256xi32, #tpu.memory_space<hbm>>
      %dma_start3A_87 = tpu.memref_slice %arg3[%add3A_85] : memref<262144xi32, #tpu.memory_space<hbm>> -> memref<256xi32, #tpu.memory_space<hbm>>
      tpu.enqueue_dma source(%dma_start3A_87 : memref<256xi32, #tpu.memory_space<hbm>>) target(%arg9 : memref<256xi32, #tpu.memory_space<vmem>>) target_semaphore(%arg15 : memref<!tpu.dma_semaphore, #tpu.memory_space<semaphore_mem>>)
      %mul3A_88 = arith.constant 4 : i32
      %mul3A_89 = arith.muli %scan3A_33, %mul3A_88 : i32
      %add3A_90 = arith.constant 2 : i32
      %add3A_91 = arith.addi %mul3A_89, %add3A_90 : i32
      %mul3A_92 = arith.constant 256 : i32
      %mul3A_93 = arith.muli %add3A_91, %mul3A_92 : i32
      %add3A_94 = arith.addi %mul3A_2, %mul3A_93 : i32
      %dma_wait3A_95 = arith.constant 0 : i32
      %dma_wait3A_96 = arith.constant 0 : i32
      %dma_wait3A_97 = tpu.memref_slice %arg5[%dma_wait3A_95, %dma_wait3A_96] : memref<4x128xf32, #tpu.memory_space<vmem_shared>> -> memref<4x128xf32, #tpu.memory_space<vmem_shared>>
      tpu.wait_indirect_dma semaphore(%arg17 : memref<!tpu.dma_semaphore, #tpu.memory_space<semaphore_mem>>) src(%dma_wait3A_97 : memref<4x128xf32, #tpu.memory_space<vmem_shared>>) dst(%arg11 : memref<256x128xf32, #tpu.memory_space<vmem>>)
      %sub3A_98 = arith.constant 256 : i32
      %sub3A_99 = arith.subi %add3A_94, %sub3A_98 : i32
      %dma_start3A_100 = arith.constant 0 : i32
      %dma_start3A_101 = tpu.memref_slice %arg4[%sub3A_99, %dma_start3A_100] : memref<262144x128xf32, #tpu.memory_space<hbm>> -> memref<256x128xf32, #tpu.memory_space<hbm>>
      %dma_start3A_102 = arith.constant 0 : i32
      %dma_start3A_103 = tpu.memref_slice %arg4[%sub3A_99, %dma_start3A_102] : memref<262144x128xf32, #tpu.memory_space<hbm>> -> memref<256x128xf32, #tpu.memory_space<hbm>>
      tpu.enqueue_dma source(%arg11 : memref<256x128xf32, #tpu.memory_space<vmem>>) target(%dma_start3A_103 : memref<256x128xf32, #tpu.memory_space<hbm>>) target_semaphore(%arg19 : memref<!tpu.dma_semaphore, #tpu.memory_space<semaphore_mem>>)
      %dma_wait3A_104 = tpu.memref_slice %arg3[%add3A_94] : memref<262144xi32, #tpu.memory_space<hbm>> -> memref<256xi32, #tpu.memory_space<hbm>>
      %dma_wait3A_105 = tpu.memref_slice %arg3[%add3A_94] : memref<262144xi32, #tpu.memory_space<hbm>> -> memref<256xi32, #tpu.memory_space<hbm>>
      tpu.wait_dma2 semaphore(%arg14 : memref<!tpu.dma_semaphore, #tpu.memory_space<semaphore_mem>>) src(%dma_wait3A_105 : memref<256xi32, #tpu.memory_space<hbm>>) dst(%arg8 : memref<256xi32, #tpu.memory_space<vmem>>)
      %dma_wait3A_106 = arith.constant 0 : i32
      %dma_wait3A_107 = tpu.memref_slice %arg4[%add3A_94, %dma_wait3A_106] : memref<262144x128xf32, #tpu.memory_space<hbm>> -> memref<256x128xf32, #tpu.memory_space<hbm>>
      %dma_wait3A_108 = arith.constant 0 : i32
      %dma_wait3A_109 = tpu.memref_slice %arg4[%add3A_94, %dma_wait3A_108] : memref<262144x128xf32, #tpu.memory_space<hbm>> -> memref<256x128xf32, #tpu.memory_space<hbm>>
      tpu.wait_dma2 semaphore(%arg18 : memref<!tpu.dma_semaphore, #tpu.memory_space<semaphore_mem>>) src(%arg10 : memref<256x128xf32, #tpu.memory_space<vmem>>) dst(%dma_wait3A_109 : memref<256x128xf32, #tpu.memory_space<hbm>>)
      %dma_start3A_110 = arith.constant 0 : i32
      %dma_start3A_111 = arith.constant 0 : i32
      %dma_start3A_112 = tpu.memref_slice %arg5[%dma_start3A_110, %dma_start3A_111] : memref<4x128xf32, #tpu.memory_space<vmem_shared>> -> memref<4x128xf32, #tpu.memory_space<vmem_shared>>
      tpu.enqueue_indirect_dma source(%dma_start3A_112 : memref<4x128xf32, #tpu.memory_space<vmem_shared>>) target(%arg10 : memref<256x128xf32, #tpu.memory_space<vmem>>) offsets(%arg8 : memref<256xi32, #tpu.memory_space<vmem>>) semaphore(%arg16 : memref<!tpu.dma_semaphore, #tpu.memory_space<semaphore_mem>>)
      %lt3A = arith.constant 7 : i32
      %lt3A_113 = arith.cmpi slt, %scan3A_33, %lt3A : i32
      %convert_element_type3A_114 = arith.extui %lt3A_113 : i1 to i32
      %cond3A_115 = arith.constant 0 : i32
      %cond3A_116 = arith.cmpi ne, %convert_element_type3A_114, %cond3A_115 : i32
      scf.if %cond3A_116 {
        %add3A_147 = arith.constant 512 : i32
        %add3A_148 = arith.addi %add3A_94, %add3A_147 : i32
        %dma_start3A_149 = tpu.memref_slice %arg3[%add3A_148] : memref<262144xi32, #tpu.memory_space<hbm>> -> memref<256xi32, #tpu.memory_space<hbm>>
        %dma_start3A_150 = tpu.memref_slice %arg3[%add3A_148] : memref<262144xi32, #tpu.memory_space<hbm>> -> memref<256xi32, #tpu.memory_space<hbm>>
        tpu.enqueue_dma source(%dma_start3A_150 : memref<256xi32, #tpu.memory_space<hbm>>) target(%arg6 : memref<256xi32, #tpu.memory_space<vmem>>) target_semaphore(%arg12 : memref<!tpu.dma_semaphore, #tpu.memory_space<semaphore_mem>>)
      } else {
      }
      %mul3A_117 = arith.constant 4 : i32
      %mul3A_118 = arith.muli %scan3A_33, %mul3A_117 : i32
      %add3A_119 = arith.constant 3 : i32
      %add3A_120 = arith.addi %mul3A_118, %add3A_119 : i32
      %mul3A_121 = arith.constant 256 : i32
      %mul3A_122 = arith.muli %add3A_120, %mul3A_121 : i32
      %add3A_123 = arith.addi %mul3A_2, %mul3A_122 : i32
      %dma_wait3A_124 = arith.constant 0 : i32
      %dma_wait3A_125 = arith.constant 0 : i32
      %dma_wait3A_126 = tpu.memref_slice %arg5[%dma_wait3A_124, %dma_wait3A_125] : memref<4x128xf32, #tpu.memory_space<vmem_shared>> -> memref<4x128xf32, #tpu.memory_space<vmem_shared>>
      tpu.wait_indirect_dma semaphore(%arg16 : memref<!tpu.dma_semaphore, #tpu.memory_space<semaphore_mem>>) src(%dma_wait3A_126 : memref<4x128xf32, #tpu.memory_space<vmem_shared>>) dst(%arg10 : memref<256x128xf32, #tpu.memory_space<vmem>>)
      %sub3A_127 = arith.constant 256 : i32
      %sub3A_128 = arith.subi %add3A_123, %sub3A_127 : i32
      %dma_start3A_129 = arith.constant 0 : i32
      %dma_start3A_130 = tpu.memref_slice %arg4[%sub3A_128, %dma_start3A_129] : memref<262144x128xf32, #tpu.memory_space<hbm>> -> memref<256x128xf32, #tpu.memory_space<hbm>>
      %dma_start3A_131 = arith.constant 0 : i32
      %dma_start3A_132 = tpu.memref_slice %arg4[%sub3A_128, %dma_start3A_131] : memref<262144x128xf32, #tpu.memory_space<hbm>> -> memref<256x128xf32, #tpu.memory_space<hbm>>
      tpu.enqueue_dma source(%arg10 : memref<256x128xf32, #tpu.memory_space<vmem>>) target(%dma_start3A_132 : memref<256x128xf32, #tpu.memory_space<hbm>>) target_semaphore(%arg18 : memref<!tpu.dma_semaphore, #tpu.memory_space<semaphore_mem>>)
      %dma_wait3A_133 = tpu.memref_slice %arg3[%add3A_123] : memref<262144xi32, #tpu.memory_space<hbm>> -> memref<256xi32, #tpu.memory_space<hbm>>
      %dma_wait3A_134 = tpu.memref_slice %arg3[%add3A_123] : memref<262144xi32, #tpu.memory_space<hbm>> -> memref<256xi32, #tpu.memory_space<hbm>>
      tpu.wait_dma2 semaphore(%arg15 : memref<!tpu.dma_semaphore, #tpu.memory_space<semaphore_mem>>) src(%dma_wait3A_134 : memref<256xi32, #tpu.memory_space<hbm>>) dst(%arg9 : memref<256xi32, #tpu.memory_space<vmem>>)
      %dma_wait3A_135 = arith.constant 0 : i32
      %dma_wait3A_136 = tpu.memref_slice %arg4[%add3A_123, %dma_wait3A_135] : memref<262144x128xf32, #tpu.memory_space<hbm>> -> memref<256x128xf32, #tpu.memory_space<hbm>>
      %dma_wait3A_137 = arith.constant 0 : i32
      %dma_wait3A_138 = tpu.memref_slice %arg4[%add3A_123, %dma_wait3A_137] : memref<262144x128xf32, #tpu.memory_space<hbm>> -> memref<256x128xf32, #tpu.memory_space<hbm>>
      tpu.wait_dma2 semaphore(%arg19 : memref<!tpu.dma_semaphore, #tpu.memory_space<semaphore_mem>>) src(%arg11 : memref<256x128xf32, #tpu.memory_space<vmem>>) dst(%dma_wait3A_138 : memref<256x128xf32, #tpu.memory_space<hbm>>)
      %dma_start3A_139 = arith.constant 0 : i32
      %dma_start3A_140 = arith.constant 0 : i32
      %dma_start3A_141 = tpu.memref_slice %arg5[%dma_start3A_139, %dma_start3A_140] : memref<4x128xf32, #tpu.memory_space<vmem_shared>> -> memref<4x128xf32, #tpu.memory_space<vmem_shared>>
      tpu.enqueue_indirect_dma source(%dma_start3A_141 : memref<4x128xf32, #tpu.memory_space<vmem_shared>>) target(%arg11 : memref<256x128xf32, #tpu.memory_space<vmem>>) offsets(%arg9 : memref<256xi32, #tpu.memory_space<vmem>>) semaphore(%arg17 : memref<!tpu.dma_semaphore, #tpu.memory_space<semaphore_mem>>)
      %lt3A_142 = arith.constant 7 : i32
      %lt3A_143 = arith.cmpi slt, %scan3A_33, %lt3A_142 : i32
      %convert_element_type3A_144 = arith.extui %lt3A_143 : i1 to i32
      %cond3A_145 = arith.constant 0 : i32
      %cond3A_146 = arith.cmpi ne, %convert_element_type3A_144, %cond3A_145 : i32
      scf.if %cond3A_146 {
        %add3A_147 = arith.constant 512 : i32
        %add3A_148 = arith.addi %add3A_123, %add3A_147 : i32
        %dma_start3A_149 = tpu.memref_slice %arg3[%add3A_148] : memref<262144xi32, #tpu.memory_space<hbm>> -> memref<256xi32, #tpu.memory_space<hbm>>
        %dma_start3A_150 = tpu.memref_slice %arg3[%add3A_148] : memref<262144xi32, #tpu.memory_space<hbm>> -> memref<256xi32, #tpu.memory_space<hbm>>
        tpu.enqueue_dma source(%dma_start3A_150 : memref<256xi32, #tpu.memory_space<hbm>>) target(%arg7 : memref<256xi32, #tpu.memory_space<vmem>>) target_semaphore(%arg13 : memref<!tpu.dma_semaphore, #tpu.memory_space<semaphore_mem>>)
      } else {
      }
    }
    %scan3A_16 = arith.constant 8 : i32
    %add3A_17 = arith.constant 7936 : i32
    %add3A_18 = arith.addi %mul3A_2, %add3A_17 : i32
    %dma_wait3A = arith.constant 0 : i32
    %dma_wait3A_19 = arith.constant 0 : i32
    %dma_wait3A_20 = tpu.memref_slice %arg5[%dma_wait3A, %dma_wait3A_19] : memref<4x128xf32, #tpu.memory_space<vmem_shared>> -> memref<4x128xf32, #tpu.memory_space<vmem_shared>>
    tpu.wait_indirect_dma semaphore(%arg17 : memref<!tpu.dma_semaphore, #tpu.memory_space<semaphore_mem>>) src(%dma_wait3A_20 : memref<4x128xf32, #tpu.memory_space<vmem_shared>>) dst(%arg11 : memref<256x128xf32, #tpu.memory_space<vmem>>)
    %dma_start3A_21 = arith.constant 0 : i32
    %dma_start3A_22 = tpu.memref_slice %arg4[%add3A_18, %dma_start3A_21] : memref<262144x128xf32, #tpu.memory_space<hbm>> -> memref<256x128xf32, #tpu.memory_space<hbm>>
    %dma_start3A_23 = arith.constant 0 : i32
    %dma_start3A_24 = tpu.memref_slice %arg4[%add3A_18, %dma_start3A_23] : memref<262144x128xf32, #tpu.memory_space<hbm>> -> memref<256x128xf32, #tpu.memory_space<hbm>>
    tpu.enqueue_dma source(%arg11 : memref<256x128xf32, #tpu.memory_space<vmem>>) target(%dma_start3A_24 : memref<256x128xf32, #tpu.memory_space<hbm>>) target_semaphore(%arg19 : memref<!tpu.dma_semaphore, #tpu.memory_space<semaphore_mem>>)
    %dma_wait3A_25 = arith.constant 0 : i32
    %dma_wait3A_26 = tpu.memref_slice %arg4[%mul3A_2, %dma_wait3A_25] : memref<262144x128xf32, #tpu.memory_space<hbm>> -> memref<256x128xf32, #tpu.memory_space<hbm>>
    %dma_wait3A_27 = arith.constant 0 : i32
    %dma_wait3A_28 = tpu.memref_slice %arg4[%mul3A_2, %dma_wait3A_27] : memref<262144x128xf32, #tpu.memory_space<hbm>> -> memref<256x128xf32, #tpu.memory_space<hbm>>
    tpu.wait_dma2 semaphore(%arg18 : memref<!tpu.dma_semaphore, #tpu.memory_space<semaphore_mem>>) src(%arg10 : memref<256x128xf32, #tpu.memory_space<vmem>>) dst(%dma_wait3A_28 : memref<256x128xf32, #tpu.memory_space<hbm>>)
    %dma_wait3A_29 = arith.constant 0 : i32
    %dma_wait3A_30 = tpu.memref_slice %arg4[%mul3A_2, %dma_wait3A_29] : memref<262144x128xf32, #tpu.memory_space<hbm>> -> memref<256x128xf32, #tpu.memory_space<hbm>>
    %dma_wait3A_31 = arith.constant 0 : i32
    %dma_wait3A_32 = tpu.memref_slice %arg4[%mul3A_2, %dma_wait3A_31] : memref<262144x128xf32, #tpu.memory_space<hbm>> -> memref<256x128xf32, #tpu.memory_space<hbm>>
    tpu.wait_dma2 semaphore(%arg19 : memref<!tpu.dma_semaphore, #tpu.memory_space<semaphore_mem>>) src(%arg11 : memref<256x128xf32, #tpu.memory_space<vmem>>) dst(%dma_wait3A_32 : memref<256x128xf32, #tpu.memory_space<hbm>>)
    return
  }
}

</mosaic_0001>

<sc_bundles>
// kernel: kernel.3.cloned.1.call-start
scs
__scs_entry_jumppad:
0x0: {  	(pc) =	sbr.rel $0x88, $3  }
0x1: {  	(tag) =	ssettag $0x0;
	lr =	simm.s32 $0x1  }
0x2: {  	[smem:$0x3F9E] =	sst lr;
	_ =	strace $0xD0000000  }
0x3: {  	_ = 	snop  }
0x4: {  	_ = 	snop  }
0x5: {  	_ = 	snop  }
0x6: {  	_ = 	snop  }
0x7: {  	_ = 	snop  }
__scs_overlays_trampoline_lowered:
0x8: {  	[smem:$0x3FAD] =	sst s0  }
0x9: {  	[smem:$0x3FAE] =	sst s1  }
0xa: {  	[smem:$0x3FAF] =	sst s2  }
0xb: {  	[smem:$0x3FB0] =	sst s3  }
0xc: {  	[smem:$0x3FB1] =	sst s4  }
0xd: {  	[smem:$0x3FB2] =	sst s5  }
0xe: {  	[smem:$0x3FB3] =	sst s6  }
0xf: {  	[smem:$0x3FB4] =	sst s7  }
0x10: {  	[smem:$0x3FB5] =	sst s8  }
0x11: {  	[smem:$0x3FB6] =	sst s9;
	s0 =	simm.s32 @!p0 $0x0  }
0x12: {  	s1 =	sld [smem:$0x3F9C];
	s0 =	simm.s32 @p0 $0x1  }
0x13: {  	[smem:$0x3FB7] =	sst s0;
	s0 =	simm.s32 @!p1 $0x0  }
0x14: {  	s2 =	sld [smem:$0x3F9B];
	s0 =	simm.s32 @p1 $0x1  }
0x15: {  	[smem:$0x3FB8] =	sst s0;
	s0 =	simm.s32 @!p2 $0x0  }
0x16: {  	s3 =	sld [smem:$0x3FDB];
	s0 =	simm.s32 @p2 $0x1  }
0x17: {  	s4 =	simm.s32 $0x1BF5;
	[smem:$0x3FBA] =	sst s0  }
0x18: {  	s0 =	sld [smem:$0x3F9D];
	_ =	swait.ge [sflag:s4], $0x0  }
0x19: {  	s7 =	sld [smem:$0x3F9E]  }
0x1a: {  	s8 =	sadd.s32 $0xFFFFE003, lr  }
0x1b: {  	s9 =	sadd.s32 $0xFFFFFEF7, lr;
	s5 =	simm.s32 $0xFFFFFFFF;
	p2 =	slt.u32 s8, $0xFFFFF086  }
0x1c: {  	p1 =	slt.u32 s9, $0xF7A;
	s5 =	simm.s32 @!p2 $0x0  }
0x1d: {  	s5 =	simm.s32 @p1 $0x1;
	p0 =	seq.s32 s7, s2  }
0x1e: {  	s7 =	smul.u32 @!p0 $0xF7A, s2;
	p2 =	seq.s32 @!p0 s5, $0x0  }
0x1f: {  	s9 =	smul.u32 $0xF7A, s1;
	s8 =	simm.s32 @!p0 $0x1BF5;
	p2 =	por !p2, p0  }
0x20: {  	[sflag:s8] =	ssyncset.s32 @!p0 $0xFFFFF086;
	s6 =	sadd.s32 @!p0 s3, s7;
	s7 =	simm.s32 @!p0 $0x108  }
0x21: {  	s3 =	sadd.s32 s3, s9;
	s6 =	sadd.s32 @!p0 $0x88, s6;
	s7 =	simm.s32 @p2 $0x1082  }
0x22: {  	[simem:s7], [sflag:s8] =	dma.local @!p0 [hbm:s6], $0xF7A  }
0x23: {  	s9 =	sor.u32 $0xD0000000, s2;
	s6 =	simm.s32 $0x108;
	_ =	swait.ge @!p0 [sflag:s8], $0x0  }
0x24: {  	s3 =	sadd.s32 $0x88, s3;
	s6 =	simm.s32 @!p1 $0x1082;
	[sflag:s4] =	ssyncset.s32 $0xFFFFF086  }
0x25: {  	[simem:s6], [sflag:s4] =	dma.local [hbm:s3], $0xF7A  }
0x26: {  	[smem:$0x3F9E] =	sst s1;
	(tag) =	ssettag s2;
	_ =	strace s9  }
0x27: {  	s1 =	sld [smem:$0x3FAE]  }
0x28: {  	s2 =	sld [smem:$0x3FAF]  }
0x29: {  	s4 =	sld [smem:$0x3FB1]  }
0x2a: {  	p0 =	seq.s32 s5, $0x0;
	s5 =	sld [smem:$0x3FB2]  }
0x2b: {  	s6 =	sld [smem:$0x3FB3]  }
0x2c: {  	s7 =	sld [smem:$0x3FB4]  }
0x2d: {  	s3 =	simm.s32 $0x108;
	s8 =	sld [smem:$0x3FB5]  }
0x2e: {  	s3 =	simm.s32 @!p0 $0x1082;
	s9 =	sld [smem:$0x3FB6]  }
0x2f: {  	lr =	sadd.s32 s0, s3;
	s0 =	sld [smem:$0x3FAD]  }
0x30: {  	s3 =	sld [smem:$0x3FB0]  }
0x31: {  	[smem:$0x3FB9] =	sst s10  }
0x32: {  	s10 =	sld [smem:$0x3FB7];
	_ =	sdelay $0x3  }
0x33: {  	p0 =	seq.s32 s10, $0x1;
	s10 =	sld [smem:$0x3FB9];
	_ =	sdelay $0x3  }
0x34: {  	[smem:$0x3FB9] =	sst s10  }
0x35: {  	s10 =	sld [smem:$0x3FB8];
	_ =	sdelay $0x3  }
0x36: {  	p1 =	seq.s32 s10, $0x1;
	s10 =	sld [smem:$0x3FB9];
	_ =	sdelay $0x3  }
0x37: {  	[smem:$0x3FB9] =	sst s10  }
0x38: {  	s10 =	sld [smem:$0x3FBA]  }
0x39: {  	_ = 	snop;
	(pc) =	sbr.ind lr, $3  }
0x3a: {  	_ = 	snop  }
0x3b: {  	_ = 	snop  }
0x3c: {  	p2 =	seq.s32 s10, $0x1;
	s10 =	sld [smem:$0x3FB9]  }
0x3d: {  	_ =	shalt  }
0x3e: {  	_ =	shalt  }
0x3f: {  	_ =	shalt  }
0x40: {  	_ =	shalt  }
0x41: {  	_ =	shalt  }
0x42: {  	_ =	shalt  }
0x43: {  	_ =	shalt  }
0x44: {  	_ =	shalt  }
0x45: {  	_ =	shalt  }
0x46: {  	_ =	shalt  }
0x47: {  	_ =	shalt  }
0x48: {  	_ =	shalt  }
0x49: {  	_ =	shalt  }
0x4a: {  	_ =	shalt  }
0x4b: {  	_ =	shalt  }
0x4c: {  	_ =	shalt  }
0x4d: {  	_ =	shalt  }
0x4e: {  	_ =	shalt  }
0x4f: {  	_ =	shalt  }
0x50: {  	_ =	shalt  }
0x51: {  	_ =	shalt  }
0x52: {  	_ =	shalt  }
0x53: {  	_ =	shalt  }
0x54: {  	_ =	shalt  }
0x55: {  	_ =	shalt  }
0x56: {  	_ =	shalt  }
0x57: {  	_ =	shalt  }
0x58: {  	_ =	shalt  }
0x59: {  	_ =	shalt  }
0x5a: {  	_ =	shalt  }
0x5b: {  	_ =	shalt  }
0x5c: {  	_ =	shalt  }
0x5d: {  	_ =	shalt  }
0x5e: {  	_ =	shalt  }
0x5f: {  	_ =	shalt  }
0x60: {  	_ =	shalt  }
0x61: {  	_ =	shalt  }
0x62: {  	_ =	shalt  }
0x63: {  	_ =	shalt  }
0x64: {  	_ =	shalt  }
0x65: {  	_ =	shalt  }
0x66: {  	_ =	shalt  }
0x67: {  	_ =	shalt  }
0x68: {  	_ =	shalt  }
0x69: {  	_ =	shalt  }
0x6a: {  	_ =	shalt  }
0x6b: {  	_ =	shalt  }
0x6c: {  	_ =	shalt  }
0x6d: {  	_ =	shalt  }
0x6e: {  	_ =	shalt  }
0x6f: {  	_ =	shalt  }
0x70: {  	_ =	shalt  }
0x71: {  	_ =	shalt  }
0x72: {  	_ =	shalt  }
0x73: {  	_ =	shalt  }
0x74: {  	_ =	shalt  }
0x75: {  	_ =	shalt  }
0x76: {  	_ =	shalt  }
0x77: {  	_ =	shalt  }
0x78: {  	_ =	shalt  }
0x79: {  	_ =	shalt  }
0x7a: {  	_ =	shalt  }
0x7b: {  	_ =	shalt  }
0x7c: {  	_ =	shalt  }
0x7d: {  	_ =	shalt  }
0x7e: {  	_ =	shalt  }
0x7f: {  	_ =	shalt  }
0x80: {  	_ =	shalt  }
0x81: {  	_ =	shalt  }
0x82: {  	_ =	shalt  }
0x83: {  	_ =	shalt  }
0x84: {  	_ =	shalt  }
0x85: {  	_ =	shalt  }
0x86: {  	_ =	shalt  }
0x87: {  	_ =	shalt  }
.Lfunc_end0:
.L_simem_size_0:
called_computation_lowered:
.L_overlay_start_0:
0x88: {  	s2 =	sld [smem:$0x3FD9]  }
0x89: {  	s3 =	sld [smem:$0x3FFE];
	_ =	sdelay $0x1  }
0x8a: {  	s1 =	srdreg.scid  }
0x8b: {  	s0 =	sand.u32 $0x1, s1  }
0x8c: {  	s17 =	sshll.u32 s0, $0xA;
	s2 =	sadd.s32 s3, s2  }
0x8d: {  	s2 =	sadd.s32 s2, s17  }
0x8e: {  	[smem:$0x3FC5] =	sst s2  }
0x8f: {  	_ = 	snop  }
0x90: {  	s2 =	sld [smem:$0x3FC7]  }
0x91: {  	s18 =	sld [smem:$0x3FD0];
	(tm) =	ssettm $0x1  }
0x92: {  	s4 =	sld [smem:$0x3FFB];
	_ =	sdelay $0x3  }
0x93: {  	_ =	strace s4  }
0x94: {  	s4 =	sld [smem:$0x3FFC];
	_ =	sdelay $0x3  }
0x95: {  	_ =	strace s4  }
0x96: {  	s4 =	sld [smem:$0x3FFD];
	_ =	sdelay $0x3  }
0x97: {  	_ =	strace s4  }
0x98: {  	_ =	strace $0x8FFFFFFF  }
0x99: {  	s19 =	sld [smem:$0x3FDB];
	_ =	sdelay $0x1  }
0x9a: {  	s5 =	simm.s32 $_scs_section_size  }
0x9b: {  	s6 =	simm.s32 $_size__tile_overlayer_lowered;
	s7 =	simm.s32 $_tile_overlayer_lowered  }
0x9c: {  	s22 =	simm.s32 $0x1BFF;
	s21 =	sshll.u32 s7, $0x1;
	s4 =	sadd.s32 s5, s19  }
0x9d: {  	s8 =	simm.s32 $0x0;
	s20 =	sshll.u32 s6, $0x1;
	s6 =	sadd.s32 s21, s4  }
0x9e: {  	[timem:s8], [sflag:s22] =	dma.local [hbm:s6], s20  }
0x9f: {  	_ =	swait.ge [sflag:s22], s20  }
0xa0: {  	s5 =	ssub.s32 $0x0, s20;
	[sflag:s22] =	ssyncset.done $0x0  }
0xa1: {  	[sflag:s22] =	ssyncadd.s32 s5;
	_ =	sdelay $0x1  }
0xa2: {  	s23 =	simm.s32 $0x1B8B  }
0xa3: {  	_ =	swait.ge [sflag:s23], $0x1  }
0xa4: {  	[sflag:s23] =	ssyncset.done $0x0  }
0xa5: {  	s25 =	simm.s32 $0x1B8E;
	s24 =	sld [smem:$0x3FFE];
	[sflag:s23] =	ssyncadd.s32 $0xFFFFFFFF  }
0xa6: {  	s26 =	simm.s32 $execute0_lowered;
	[smem:$0x3FD2] =	sst s25  }
0xa7: {  	s6 =	sshll.u32 s26, $0x1;
	_ =	strace $0x80000046;
	[dreg:$0x1] =	wrdreg $0xFFFFFFFF  }
0xa8: {  	s28 =	simm.s32 $_size_execute0_lowered;
	s4 =	sadd.s32 s4, s6;
	[dreg:$0x0] =	wrdreg $0x0  }
0xa9: {  	s6 =	sshll.u32 s28, $0x1;
	[dreg:$0x2] =	wrdreg s4  }
0xaa: {  	[dreg:$0x3] =	wrdreg s6  }
0xab: {  	[dreg:$0x4] =	wrdreg $0xC0  }
0xac: {  	_ =	task [dreg:s8], $0x5FFFF  }
0xad: {  	[dreg:$0x1] =	wrdreg $0xFFFFFFFF  }
0xae: {  	[dreg:$0x0] =	wrdreg $0x60  }
0xaf: {  	[dreg:$0x2] =	wrdreg s24  }
0xb0: {  	[dreg:$0x3] =	wrdreg s2  }
0xb1: {  	[dreg:$0x4] =	wrdreg s18  }
0xb2: {  	[dreg:$0x5] =	wrdreg $0x0  }
0xb3: {  	[dreg:$0x6] =	wrdreg $0x9  }
0xb4: {  	_ =	task.clear_ibuf [dreg:s8], $0x7FFFF;
	_ =	strace $0x90000046  }
0xb5: {  	s29 =	simm.s32 $0x9;
	_ =	strace $0x80000048  }
0xb6: {  	_ =	swait.ge [sflag:s29], $0x1  }
0xb7: {  	[sflag:s29] =	ssyncadd.s32 $0xFFFFFFFF  }
0xb8: {  	_ =	strace $0x90000048  }
0xb9: {  	_ =	sfence  }
0xba: {  	s30 =	sld [smem:$0x0];
	_ =	sdelay $0x2  }
0xbb: {  	s31 =	sshll.u32 s1, $0xD;
	s1 =	sshrl.u32 s1, $0x2  }
0xbc: {  	s3 =	sand.u32 $0x4000, s31;
	s1 =	sadd.s32 s1, s30  }
0xbd: {  	s0 =	sor.u32 s3, s0;
	s1 =	sshll.u32 s1, $0x11  }
0xbe: {  	s0 =	sor.u32 s1, s0  }
0xbf: {  	s0 =	sadd.s32 $0x8F2B, s0  }
0xc0: {  	[sflag:s0] =	ssyncadd.remote.s32 $0x1  }
0xc1: {  	_ =	sfence.sel $0xFFFF  }
0xc2: {  	[dreg:$0x0] =	wrdreg $0xFFFFFFFF;
	(pc) =	sbr.abs _section_cstart, $3  }
0xc3: {  	[dreg:$0x1] =	wrdreg $0xFFFFFFFF  }
0xc4: {  	_ =	task.clear_ibuf [dreg:s8], $0x2FFFF;
	_ =	strace $0x9FFFFFFF  }
0xc5: {  	(tm) =	ssettm $0x7FFFFFFF  }
tec
execute0_lowered:
.L_overlay_start_1:
0x0: {  	(tag) =	ssettag $0x1  }
0x1: {  	s0 =	rddreg [dreg:$0x0]  }
0x2: {  	s4 =	rddreg [dreg:$0x1]  }
0x3: {  	s1 =	rddreg [dreg:$0x2]  }
0x4: {  	s2 =	rddreg [dreg:$0x3];
	s3 =	simm.s32 $0x0;
	s5 =	srdreg.scid  }
0x5: {  	s8 =	stileid.u32;
	s28 =	simm.s32 $0x3;
	s29 =	simm.s32 $0x7  }
0x6: {  	s30 =	simm.s32 $0x4;
	s31 =	simm.s32 $0x8;
	[smem:$0x7FF] =	sst s3  }
0x7: {  	s6 =	sand.u32 $0x1, s5;
	s11 =	sshll.u32 s8, $0xE;
	s0 =	sadd.s32 $0xE00, s0  }
0x8: {  	p0 =	sne.s32 s8, $0x0;
	_ =	strace $0x80000047;
	s7 =	sshll.u32 s6, $0xD  }
0x9: {  	[dreg:$0x5] =	wrdreg s0;
	s12 =	ssub.s32 $0x2, s6;
	s22 =	sshll.u32 s6, $0x11  }
0xa: {  	s6 =	sshll.u32 s6, $0x14;
	s7 =	sor.u32 s7, s11;
	s13 =	sshrl.u32 s12, $0x1  }
0xb: {  	s11 =	sshll.u32 s8, $0x12;
	s9 =	sshrl.u32 s7, $0x3;
	s10 =	sshll.u32 s7, $0x4  }
0xc: {  	s0 =	ssub.s32 s12, s13;
	s17 =	sor.u32 $0x500, s7;
	s19 =	sor.u32 $0x400, s7  }
0xd: {  	s21 =	sadd.s32 s11, s1;
	s12 =	sshll.u32 s8, $0x15;
	s7 =	sor.u32 $0x100, s7  }
0xe: {  	s14 =	sadd.s32 s9, s4;
	s15 =	sadd.s32 s10, s1;
	s0 =	smax.u32 s0, $0x1  }
0xf: {  	s18 =	sshrl.u32 s17, $0x3;
	s20 =	sshrl.u32 s19, $0x3;
	s23 =	sor.u32 s6, s12  }
0x10: {  	s24 =	sshrl.u32 s7, $0x3;
	s17 =	simm.s32 $0x20;
	s19 =	simm.s32 $0x100  }
0x11: {  	s16 =	sadd.s32 $0x20, s14;
	s9 =	sadd.s32 $0x1F000, s15;
	[dreg:$0x8] =	wrdreg s0  }
0x12: {  	s10 =	sadd.s32 s20, s4;
	s0 =	sadd.s32 s22, s21;
	s25 =	sshrl.u32 s23, $0x3  }
0x13: {  	s26 =	sadd.s32 $0xFFFF8000, s23;
	s15 =	sadd.s32 $0x40, s14;
	s20 =	simm.s32 $0x420  }
0x14: {  	s21 =	simm.s32 $0x220;
	s22 =	simm.s32 $0x5;
	[dreg:$0x6] =	wrdreg s16  }
0x15: {  	s23 =	simm.s32 $0x2;
	[dreg:$0x7] =	wrdreg s9;
	s9 =	sadd.s32 s18, s4  }
.Ltmp0:
0x16: {  	s0 =	sadd.s32 $0x2000, s0;
	s4 =	sadd.s32 s24, s4;
	(pc) =	sbr.rel .LBB2_1-.Ltmp0, $4  }
0x17: {  	[dreg:$0xb] =	wrdreg s26;
	s16 =	sshrl.u32 @!p0 s2, $0x3;
	s18 =	simm.s32 $0x120  }
0x18: {  	s24 =	simm.s32 $0x8420;
	s26 =	simm.s32 $0x6;
	[dreg:$0x9] =	wrdreg s0  }
0x19: {  	s0 =	sadd.s32 s25, s1;
	s13 =	sadd.s32 $0x40, s4;
	s4 =	smov.u32 s14  }
0x1a: {  	s25 =	simm.s32 $0x320;
	[dreg:$0xa] =	wrdreg s0;
	s0 =	simm.s32 $0x0  }
.LBB2_4:
0x1b: {  	_ =	swait.ge [sflag:s26], $0x8000  }
0x1c: {  	[sflag:s26] =	ssyncset.done $0x0  }
0x1d: {  	s5 =	rddreg [dreg:$0x7];
	[sflag:s26] =	ssyncadd.s32 $0xFFFF8000  }
0x1e: {  	[hbm4b:s5+s3] =	stream.linear.scatter [tilespmem:s24], [sflag:$0x8], $0x8000, $0x38;
	[tilespmem:$0x10420] =	vst v63  }
0x1f: {  	_ =	swait.ge [sflag:s29], $0x8000  }
0x20: {  	[sflag:s29] =	ssyncset.done $0x0  }
0x21: {  	[sflag:s29] =	ssyncadd.s32 $0xFFFF8000  }
0x22: {  	_ =	swait.ge [sflag:s31], $0x8000  }
0x23: {  	s0 =	sadd.s32 $0x1, s0;
	s14 =	rddreg [dreg:$0x8]  }
0x24: {  	p1 =	sne.s32 s0, s14  }
.Ltmp1:
0x25: {  	_ = 	snop;
	(pc) =	sbr.rel @!p1 .LBB2_5-.Ltmp1, $3  }
0x26: {  	_ =	sdelay $0x1  }
0x27: {  	[sflag:s31] =	ssyncset.done $0x0  }
0x28: {  	[sflag:s31] =	ssyncadd.s32 $0xFFFF8000  }
.LBB2_1:
0x29: {  	s8 =	simm.s32 @!p0 $0x1C09;
	s5 =	rddreg [dreg:$0x5]  }
0x2a: {  	[spmem:s16], [sflag:s8] =	dma.local @!p0 [hbm:s5], $0x40  }
0x2b: {  	s8 =	simm.s32 @!p0 $0x9  }
0x2c: {  	_ =	swait.ge @!p0 [sflag:s8], $0x40  }
0x2d: {  	[sflag:s8] =	ssyncset.done @!p0 $0x0  }
0x2e: {  	[sflag:s8] =	ssyncadd.s32 @!p0 $0xFFFFFFC0  }
0x2f: {  	[bflag:$0x0] =	sbarrier.arrive $0xFFFF  }
0x30: {  	[tilespmem:s17], [sflag:$0x1] =	stream.linear.gather [hbm4b:s4+s3], $0x100, $0x38;
	[tilespmem:$0x10420] =	vst v63  }
0x31: {  	s14 =	rddreg [dreg:$0x6]  }
0x32: {  	s12 =	rddreg [dreg:$0xa]  }
0x33: {  	s11 =	rddreg [dreg:$0x9]  }
0x34: {  	[tilespmem:s18], [sflag:$0x2] =	stream.linear.gather [hbm4b:s14+s3], $0x100, $0x38;
	[tilespmem:$0x10420] =	vst v63  }
0x35: {  	s8 =	simm.s32 $0x0;
	s14 =	rddreg [dreg:$0xb]  }
.LBB2_2:
0x36: {  	p1 =	seq.s32 s8, $0x0  }
0x37: {  	s5 =	simm.s32 @p1 $0x1  }
0x38: {  	_ =	swait.ge @p1 [sflag:s5], $0x100  }
0x39: {  	[sflag:s5] =	ssyncset.done @p1 $0x0  }
0x3a: {  	[sflag:s5] =	ssyncadd.s32 @p1 $0xFFFFFF00;
	s5 =	simm.s32 @!p1 $0x6  }
0x3b: {  	_ =	swait.ge @!p1 [sflag:s5], $0x8000  }
0x3c: {  	[sflag:s5] =	ssyncset.done @!p1 $0x0  }
0x3d: {  	[sflag:s5] =	ssyncadd.s32 @!p1 $0xFFFF8000;
	s5 =	sshrl.u32 @!p1 s14, $0x3  }
0x3e: {  	s7 =	simm.s32 @!p1 $0x0;
	s6 =	simm.s32 @!p1 $0x8420;
	s5 =	sadd.s32 @!p1 s1, s5  }
0x3f: {  	[hbm4b:s5+s7] =	stream.linear.scatter @!p1 [tilespmem:s6], [sflag:$0x8], $0x8000, $0x38;
	[tilespmem:$0x10420] =	vst v63  }
0x40: {  	s5 =	simm.s32 @!p1 $0x1  }
0x41: {  	_ =	swait.ge @!p1 [sflag:s5], $0x100  }
0x42: {  	[sflag:s5] =	ssyncset.done @!p1 $0x0  }
0x43: {  	[sflag:s5] =	ssyncadd.s32 @!p1 $0xFFFFFF00;
	s5 =	simm.s32 @!p1 $0x7  }
0x44: {  	_ =	swait.ge @!p1 [sflag:s5], $0x8000  }
0x45: {  	[sflag:s5] =	ssyncset.done @!p1 $0x0  }
0x46: {  	[sflag:s5] =	ssyncadd.s32 @!p1 $0xFFFF8000  }
0x47: {  	[tilespmem:s20], [sflag:$0x5] =	stream.indirect.gather [spmem:s2], $0x80, s17, s19, $0xb8;
	[tilespmem:$0x10420] =	vst v63  }
0x48: {  	s7 =	sadd.s32 s8, s15  }
0x49: {  	[tilespmem:s21], [sflag:$0x3] =	stream.linear.gather [hbm4b:s7+s3], $0x100, $0x38;
	[tilespmem:$0x10420] =	vst v63  }
0x4a: {  	_ =	swait.ge [sflag:s22], $0x8000  }
0x4b: {  	[sflag:s22] =	ssyncset.done $0x0  }
0x4c: {  	[sflag:s22] =	ssyncadd.s32 $0xFFFF8000  }
0x4d: {  	[hbm4b:s12+s3] =	stream.linear.scatter [tilespmem:s20], [sflag:$0x7], $0x8000, $0x38;
	[tilespmem:$0x10420] =	vst v63  }
0x4e: {  	_ =	swait.ge [sflag:s23], $0x100  }
0x4f: {  	[sflag:s23] =	ssyncset.done $0x0  }
0x50: {  	s5 =	simm.s32 @!p1 $0x8;
	[sflag:s23] =	ssyncadd.s32 $0xFFFFFF00  }
0x51: {  	_ =	swait.ge @!p1 [sflag:s5], $0x8000  }
0x52: {  	[sflag:s5] =	ssyncset.done @!p1 $0x0  }
0x53: {  	[sflag:s5] =	ssyncadd.s32 @!p1 $0xFFFF8000  }
0x54: {  	[tilespmem:s24], [sflag:$0x6] =	stream.indirect.gather [spmem:s2], $0x80, s18, s19, $0xb8;
	[tilespmem:$0x10420] =	vst v63  }
0x55: {  	s6 =	sadd.s32 s8, s13  }
0x56: {  	[tilespmem:s25], [sflag:$0x4] =	stream.linear.gather [hbm4b:s6+s3], $0x100, $0x38;
	[tilespmem:$0x10420] =	vst v63  }
0x57: {  	_ =	swait.ge [sflag:s26], $0x8000  }
0x58: {  	[sflag:s26] =	ssyncset.done $0x0  }
0x59: {  	s7 =	sadd.s32 $0xFFFFF000, s11;
	[sflag:s26] =	ssyncadd.s32 $0xFFFF8000  }
0x5a: {  	[hbm4b:s7+s3] =	stream.linear.scatter [tilespmem:s24], [sflag:$0x8], $0x8000, $0x38;
	[tilespmem:$0x10420] =	vst v63  }
0x5b: {  	_ =	swait.ge [sflag:s28], $0x100  }
0x5c: {  	[sflag:s28] =	ssyncset.done $0x0  }
0x5d: {  	[sflag:s28] =	ssyncadd.s32 $0xFFFFFF00  }
0x5e: {  	_ =	swait.ge [sflag:s29], $0x8000  }
0x5f: {  	[sflag:s29] =	ssyncset.done $0x0  }
0x60: {  	p1 =	seq.s32 s8, $0x380;
	[sflag:s29] =	ssyncadd.s32 $0xFFFF8000  }
0x61: {  	[tilespmem:s20], [sflag:$0x5] =	stream.indirect.gather [spmem:s2], $0x80, s21, s19, $0xb8;
	[tilespmem:$0x10420] =	vst v63  }
0x62: {  	s5 =	sadd.s32 @!p1 s8, s10;
	s6 =	simm.s32 @!p1 $0x0;
	s7 =	simm.s32 @!p1 $0x20  }
0x63: {  	[tilespmem:s7], [sflag:$0x1] =	stream.linear.gather @!p1 [hbm4b:s5+s6], $0x100, $0x38;
	[tilespmem:$0x10420] =	vst v63  }
0x64: {  	_ =	swait.ge [sflag:s22], $0x8000  }
0x65: {  	[sflag:s22] =	ssyncset.done $0x0  }
0x66: {  	[sflag:s22] =	ssyncadd.s32 $0xFFFF8000  }
0x67: {  	[hbm4b:s11+s3] =	stream.linear.scatter [tilespmem:s20], [sflag:$0x7], $0x8000, $0x38;
	[tilespmem:$0x10420] =	vst v63  }
0x68: {  	_ =	swait.ge [sflag:s30], $0x100  }
0x69: {  	[sflag:s30] =	ssyncset.done $0x0  }
.Ltmp2:
0x6a: {  	[sflag:s30] =	ssyncadd.s32 $0xFFFFFF00;
	(pc) =	sbr.rel @p1 .LBB2_4-.Ltmp2, $4  }
0x6b: {  	_ =	swait.ge [sflag:s31], $0x8000  }
0x6c: {  	[sflag:s31] =	ssyncset.done $0x0  }
0x6d: {  	[sflag:s31] =	ssyncadd.s32 $0xFFFF8000  }
0x6e: {  	[tilespmem:s24], [sflag:$0x6] =	stream.indirect.gather [spmem:s2], $0x80, s25, s19, $0xb8;
	[tilespmem:$0x10420] =	vst v63  }
.Ltmp3:
0x6f: {  	(pc) =	sbr.rel .LBB2_2-.Ltmp3, $4  }
0x70: {  	_ = 	snop  }
0x71: {  	s5 =	sadd.s32 s8, s9;
	s8 =	sadd.s32 $0x80, s8  }
0x72: {  	s11 =	sadd.s32 $0x4000, s11;
	s12 =	sadd.s32 $0x4000, s12;
	s14 =	sadd.s32 $0x20000, s14  }
0x73: {  	[tilespmem:s18], [sflag:$0x2] =	stream.linear.gather [hbm4b:s5+s3], $0x100, $0x38;
	[tilespmem:$0x10420] =	vst v63  }
.LBB2_5:
0x74: {  	_ =	sfence.sel $0x180000  }
0x75: {  	[bflag:$0x0] =	sbarrier.arrive $0xFFFF  }
0x76: {  	_ =	strace $0x90000047  }
0x77: {  	[bflag:$0x2] =	sbarrier.arrive $0xFFFF  }
0x78: {  	s0 =	rddreg [dreg:$0x4]  }
0x79: {  	s0 =	sadd.s32 @!p0 $0x100000, s0  }
0x7a: {  	[sflag:s0] =	ssyncadd.tile.s32 @!p0 $0x1;
	_ =	shalt  }
.Lfunc_end2:
_tile_overlayer_lowered:
.L_overlay_start_2:
0x7b: {  	(tag) =	ssettag $0x2  }
0x7c: {  	s0 =	rddreg [dreg:$0x0];
	s2 =	stileid.u32  }
0x7d: {  	s1 =	rddreg [dreg:$0x1];
	p0 =	sne.s32 s2, $0x0  }
0x7e: {  	s3 =	rddreg [dreg:$0x2];
	[bflag:$0x3] =	sbarrier.arrive $0xFFFF;
	s2 =	simm.s32 @!p0 $0x1C09  }
0x7f: {  	[timem:s3], [sflag:s2] =	dma.local @!p0 [hbm:s0], s1  }
0x80: {  	s0 =	simm.s32 @!p0 $0x9  }
0x81: {  	_ =	swait.ge @!p0 [sflag:s0], s1  }
0x82: {  	s1 =	ssub.s32 @!p0 $0x0, s1;
	[sflag:s0] =	ssyncset.done @!p0 $0x0  }
0x83: {  	[sflag:s0] =	ssyncadd.s32 @!p0 s1  }
0x84: {  	[bflag:$0x3] =	sbarrier.arrive $0xFFFF  }
0x85: {  	_ =	shalt  }

</sc_bundles>
